<compile_context>
chip_gen: v7x
topology: tpu7x:2x2x1
jax: 0.10.2.dev20260603
libtpu: 0.0.44.dev20260713+nightly
codegen_flags: <defaults>
</compile_context>

<pallas_src>
import functools

import jax
import jax.numpy as jnp
from jax import lax
from jax.experimental import pallas as pl
from jax.experimental.pallas import tpu as pltpu
from jax.experimental.pallas import tpu_sc as plsc

I = 5000
K = 50
B = 1024
NC = 2
NS = 16
NW = NC * NS
IP = 5120
JP = 5120
KP = 64
RPT = IP // NW
G = 8
NB = RPT // G


def _rsqrt16(x):
  i = plsc.bitcast(x, jnp.int32)
  i = jnp.int32(0x5F3759DF) - lax.shift_right_logical(i, 1)
  y = plsc.bitcast(i, jnp.float32)
  hx = 0.5 * x
  for _ in range(3):
    y = y * (1.5 - hx * y * y)
  return y


def _attn_stats_body(t_ref, v_ref, ew_ref, s_ref):
  ew = jnp.exp(v_ref[...] / t_ref[0])
  ew_ref[...] = ew
  s_ref[...] = jnp.sum(ew, axis=1, keepdims=True)


def _attn_stats(top_k_values, temperature):
  return pl.pallas_call(
      _attn_stats_body,
      in_specs=[
          pl.BlockSpec(memory_space=pltpu.SMEM),
          pl.BlockSpec((I, K), lambda: (0, 0)),
      ],
      out_specs=[
          pl.BlockSpec((I, K), lambda: (0, 0)),
          pl.BlockSpec((I, 1), lambda: (0, 0)),
      ],
      out_shape=[
          jax.ShapeDtypeStruct((I, K), jnp.float32),
          jax.ShapeDtypeStruct((I, 1), jnp.float32),
      ],
  )(temperature, top_k_values)


_IOTA16 = None


def _gather16(x, pos):
  dnums = lax.GatherDimensionNumbers(
      offset_dims=(), collapsed_slice_dims=(0,), start_index_map=(0,))
  return lax.gather(x, pos[:, None], dnums, (1,),
                    mode=lax.GatherScatterMode.PROMISE_IN_BOUNDS)


def _densify_body(idx_hbm, ew_hbm, s_hbm, m_hbm, s_v, idx_v, ew_v, rowg_v):
  cid = lax.axis_index("c")
  sid = lax.axis_index("s")
  wid = sid * NC + cid
  base = wid * RPT

  pltpu.sync_copy(s_hbm, s_v)
  pltpu.sync_copy(idx_hbm.at[pl.ds(base * KP, RPT * KP)], idx_v)
  pltpu.sync_copy(ew_hbm.at[pl.ds(base * KP, RPT * KP)], ew_v)

  zero16f = jnp.zeros((16,), jnp.float32)
  iota = lax.iota(jnp.int32, 16)

  def _zrow(t, c):
    rowg_v[pl.ds(t * 16, 16)] = zero16f
    return c
  lax.fori_loop(0, G * JP // 16, _zrow, 0)

  def _batch(b, c):
    row0 = b * G

    def _build(t, c2):
      g = t // (KP // 16)
      ck = t % (KP // 16)
      r = row0 + g
      off = r * KP + ck * 16
      iv = idx_v[pl.ds(off, 16)]
      ev = ew_v[pl.ds(off, 16)]
      nbr = plsc.load_gather(s_v, [iv])
      own = jnp.full((16,), base + r, jnp.int32)
      si = plsc.load_gather(s_v, [own])
      att = ev * _rsqrt16(si * nbr + 1e-10)
      ks, vs = plsc.sort_key_val(iv, att)
      c_inc = plsc.cumsum(vs)
      c_exc = c_inc - vs
      prev = _gather16(ks, jnp.maximum(iota - 1, 0))
      nxt = _gather16(ks, jnp.minimum(iota + 1, 15))
      first = (iota == 0) | (ks != prev)
      last = (iota == 15) | (ks != nxt)
      seg_base = plsc.cummax(jnp.where(first, c_exc, -3e38))
      w = c_inc - seg_base
      plsc.addupdate_scatter(rowg_v, [ks + g * JP], w, mask=last)
      return c2
    lax.fori_loop(0, G * (KP // 16), _build, 0)

    pltpu.sync_copy(rowg_v, m_hbm.at[pl.ds((base + row0) * JP, G * JP)])

    def _clean(t, c2):
      g = t // (KP // 16)
      ck = t % (KP // 16)
      off = (row0 + g) * KP + ck * 16
      iv = idx_v[pl.ds(off, 16)]
      plsc.store_scatter(rowg_v, [iv + g * JP], zero16f)
      return c2
    lax.fori_loop(0, G * (KP // 16), _clean, 0)
    return c
  lax.fori_loop(0, NB, _batch, 0)


def _sc_densify(idx_flat, ew_flat, s_pad):
  mesh = plsc.VectorSubcoreMesh(
      core_axis_name="c", subcore_axis_name="s", num_cores=NC, num_subcores=NS)
  f = pl.kernel(
      _densify_body,
      out_type=jax.ShapeDtypeStruct((IP * JP,), jnp.float32),
      mesh=mesh,
      compiler_params=pltpu.CompilerParams(needs_layout_passes=False),
      scratch_types=[
          pltpu.VMEM((IP,), jnp.float32),
          pltpu.VMEM((RPT * KP,), jnp.int32),
          pltpu.VMEM((RPT * KP,), jnp.float32),
          pltpu.VMEM((G * JP,), jnp.float32),
      ],
  )
  return f(idx_flat, ew_flat, s_pad)


U = 10000
UT = 2000
JT2 = 1024


def _sel_body(u_ref, adj_ref, o_ref):
  u = pl.program_id(1)
  nu = pl.num_programs(1)
  j2 = pl.program_id(0)

  @pl.when(u == 0)
  def _():
    o_ref[...] = jnp.zeros_like(o_ref)
  col = lax.broadcasted_iota(jnp.int32, (B, UT), 1) + u * UT
  oh = (u_ref[...] == col).astype(jnp.bfloat16)
  o_ref[...] += lax.dot_general(
      oh, adj_ref[...].astype(jnp.bfloat16), (((1,), (0,)), ((), ())),
      preferred_element_type=jnp.float32)

  @pl.when((u == nu - 1) & (j2 == JP // JT2 - 1))
  def _():
    cmask = lax.broadcasted_iota(jnp.int32, (B, JT2), 1) < (I - 4 * JT2)
    o_ref[...] = jnp.where(cmask, o_ref[...], 0.0)


def _select_rows(users, adj_matrix):
  return pl.pallas_call(
      _sel_body,
      grid=(JP // JT2, U // UT),
      in_specs=[
          pl.BlockSpec((B, 1), lambda j2, u: (0, 0)),
          pl.BlockSpec((UT, JT2), lambda j2, u: (u, j2)),
      ],
      out_specs=pl.BlockSpec((B, JT2), lambda j2, u: (0, j2)),
      out_shape=jax.ShapeDtypeStruct((B, JP), jnp.float32),
      compiler_params=pltpu.CompilerParams(
          dimension_semantics=("arbitrary", "arbitrary")),
  )(users.reshape(B, 1), adj_matrix)


IT = 512
JT = 1024


def _mm_body(up_ref, m_ref, o_ref):
  @pl.when(pl.program_id(1) == 0)
  def _():
    o_ref[...] = jnp.zeros_like(o_ref)
  o_ref[...] += lax.dot_general(
      up_ref[...].astype(jnp.bfloat16), m_ref[...].astype(jnp.bfloat16),
      (((1,), (1,)), ((), ())),
      preferred_element_type=jnp.float32)


def _matmul(up, m):
  return pl.pallas_call(
      _mm_body,
      grid=(IP // IT, JP // JT),
      in_specs=[
          pl.BlockSpec((B, JT), lambda i, j: (0, j)),
          pl.BlockSpec((IT, JT), lambda i, j: (i, j)),
      ],
      out_specs=pl.BlockSpec((B, IT), lambda i, j: (0, i)),
      out_shape=jax.ShapeDtypeStruct((B, I), jnp.float32),
      compiler_params=pltpu.CompilerParams(
          dimension_semantics=("arbitrary", "arbitrary")),
  )(up, m)


def kernel(users, adj_matrix, top_k_indices, top_k_values, temperature):
  idx = top_k_indices.astype(jnp.int32)
  exp_w, sums = _attn_stats(top_k_values, temperature)
  idx_p = jnp.pad(idx, ((0, IP - I), (0, KP - K)))
  ew_p = jnp.pad(exp_w, ((0, IP - I), (0, KP - K)))
  s_p = jnp.pad(sums.reshape(-1), (0, IP - I), constant_values=1.0)
  m_flat = _sc_densify(idx_p.reshape(-1), ew_p.reshape(-1), s_p)
  m = m_flat.reshape(IP, JP)
  up = _select_rows(users.astype(jnp.int32), adj_matrix)
  scores_p = _matmul(up, m)
  return scores_p[:, :I]

# --- scband reference (transcript-rebuilt; emitter-appended) ---
"""Pipeline reference for scband-improved-raw-item-sim-29214367547834 (READ-ONLY COPY).

The authoritative reference and input builder live on the scoring server;
editing this copy changes nothing except your own understanding.
"""

import jax, jax.numpy as jnp
import numpy as np

N_USERS = 10000
N_ITEMS = 5000
TOP_K = 50
BATCH = 1024


def setup_inputs(seed: int = 0) -> dict:
    key = jax.random.key(seed)
    k1, k2, k3, k4 = jax.random.split(key, 4)
    users = jax.random.randint(k1, (BATCH,), 0, N_USERS, dtype=jnp.int64 if jax.config.read('jax_enable_x64') else jnp.int32)
    # dense user-item interaction matrix (buffer adj_matrix in the torch module)
    adj_matrix = jax.random.uniform(k2, (N_USERS, N_ITEMS), dtype=jnp.float32)
    # precomputed top-k neighbor buffers (built in _setup_raw_similarity in torch)
    top_k_indices = jax.random.randint(k3, (N_ITEMS, TOP_K), 0, N_ITEMS)
    top_k_values = jax.random.uniform(k4, (N_ITEMS, TOP_K), dtype=jnp.float32)
    # learned temperature parameter
    temperature = jnp.ones((1,), dtype=jnp.float32)
    return {
        'users': users,
        'adj_matrix': adj_matrix,
        'top_k_indices': top_k_indices,
        'top_k_values': top_k_values,
        'temperature': temperature,
    }


def reference(users, adj_matrix, top_k_indices, top_k_values, temperature):
    # _compute_symmetric_softmax
    temp_scaled_values = top_k_values / temperature                      # [I, K]
    exp_weights = jnp.exp(temp_scaled_values)                            # [I, K]
    edge_weight_sums = jnp.sum(exp_weights, axis=1)                      # [I]
    neighbor_sums = edge_weight_sums[top_k_indices]                      # [I, K] gather
    norm_factors = jnp.sqrt(edge_weight_sums[:, None] * neighbor_sums + 1e-10)
    attention_weights = exp_weights / norm_factors                       # [I, K]

    # forward: gather user profiles then weighted sum over top-k neighbor items
    user_profiles = jnp.take(adj_matrix, users, axis=0)                  # [B, I]
    flat_idx = top_k_indices.reshape(-1)                                 # [I*K]
    neighbor_profiles = jnp.take(user_profiles, flat_idx, axis=1)        # [B, I*K]
    neighbor_profiles = neighbor_profiles.reshape(user_profiles.shape[0], N_ITEMS, TOP_K)
    scores = jnp.sum(neighbor_profiles * attention_weights[None, :, :], axis=2)  # [B, I]
    return scores

if __name__ == "__main__":
    import jax
    _d = setup_inputs()
    print(jax.jit(kernel)(*tuple(_d.values())))

</pallas_src>

<mosaic_0001>
#map = affine_map<(d0, d1) -> (0)>
module attributes {stable_mosaic.version = 14 : i64} {
  func.func @_densify_body(%arg0: i32, %arg1: i32, %arg2: memref<327680xi32, #tpu.memory_space<hbm>>, %arg3: memref<327680xf32, #tpu.memory_space<hbm>>, %arg4: memref<5120xf32, #tpu.memory_space<hbm>>, %arg5: memref<26214400xf32, #tpu.memory_space<hbm>>, %arg6: memref<5120xf32, #tpu.memory_space<vmem>>, %arg7: memref<10240xi32, #tpu.memory_space<vmem>>, %arg8: memref<10240xf32, #tpu.memory_space<vmem>>, %arg9: memref<40960xf32, #tpu.memory_space<vmem>>) attributes {dimension_semantics = [#tpu.dimension_semantics<core_parallel>, #tpu.dimension_semantics<subcore_parallel>], iteration_bounds = array<i64: 2, 16>, scalar_prefetch = 0 : i64, scratch_operands = 4 : i64, tpu.core_type = #tpu.core_type<sc_vector_subcore>, window_params = [{transform_indices = #map}, {transform_indices = #map}, {transform_indices = #map}, {transform_indices = #map}]} {
    %mul3A = arith.constant 2 : i32
    %mul3A_0 = arith.muli %arg1, %mul3A : i32
    %add3A = arith.addi %mul3A_0, %arg0 : i32
    %mul3A_1 = arith.constant 160 : i32
    %mul3A_2 = arith.muli %add3A, %mul3A_1 : i32
    "tpu.region"() ({
      %run_scoped3A = tpu.sem_alloc : memref<!tpu.dma_semaphore, #tpu.memory_space<semaphore_mem>>
      tpu.enqueue_dma source(%arg4 : memref<5120xf32, #tpu.memory_space<hbm>>) target(%arg6 : memref<5120xf32, #tpu.memory_space<vmem>>) target_semaphore(%run_scoped3A : memref<!tpu.dma_semaphore, #tpu.memory_space<semaphore_mem>>)
      tpu.wait_dma2 semaphore(%run_scoped3A : memref<!tpu.dma_semaphore, #tpu.memory_space<semaphore_mem>>) src(%arg4 : memref<5120xf32, #tpu.memory_space<hbm>>) dst(%arg6 : memref<5120xf32, #tpu.memory_space<vmem>>)
      tpu.yield
    }) : () -> ()
    %mul3A_3 = arith.constant 64 : i32
    %mul3A_4 = arith.muli %mul3A_2, %mul3A_3 : i32
    "tpu.region"() ({
      %run_scoped3A = tpu.sem_alloc : memref<!tpu.dma_semaphore, #tpu.memory_space<semaphore_mem>>
      %dma_start3A = tpu.memref_slice %arg2[%mul3A_4] : memref<327680xi32, #tpu.memory_space<hbm>> -> memref<10240xi32, #tpu.memory_space<hbm>>
      %dma_start3A_19 = tpu.memref_slice %arg2[%mul3A_4] : memref<327680xi32, #tpu.memory_space<hbm>> -> memref<10240xi32, #tpu.memory_space<hbm>>
      tpu.enqueue_dma source(%dma_start3A_19 : memref<10240xi32, #tpu.memory_space<hbm>>) target(%arg7 : memref<10240xi32, #tpu.memory_space<vmem>>) target_semaphore(%run_scoped3A : memref<!tpu.dma_semaphore, #tpu.memory_space<semaphore_mem>>)
      %dma_wait3A = tpu.memref_slice %arg2[%mul3A_4] : memref<327680xi32, #tpu.memory_space<hbm>> -> memref<10240xi32, #tpu.memory_space<hbm>>
      %dma_wait3A_20 = tpu.memref_slice %arg2[%mul3A_4] : memref<327680xi32, #tpu.memory_space<hbm>> -> memref<10240xi32, #tpu.memory_space<hbm>>
      tpu.wait_dma2 semaphore(%run_scoped3A : memref<!tpu.dma_semaphore, #tpu.memory_space<semaphore_mem>>) src(%dma_wait3A_20 : memref<10240xi32, #tpu.memory_space<hbm>>) dst(%arg7 : memref<10240xi32, #tpu.memory_space<vmem>>)
      tpu.yield
    }) : () -> ()
    %mul3A_5 = arith.constant 64 : i32
    %mul3A_6 = arith.muli %mul3A_2, %mul3A_5 : i32
    "tpu.region"() ({
      %run_scoped3A = tpu.sem_alloc : memref<!tpu.dma_semaphore, #tpu.memory_space<semaphore_mem>>
      %dma_start3A = tpu.memref_slice %arg3[%mul3A_6] : memref<327680xf32, #tpu.memory_space<hbm>> -> memref<10240xf32, #tpu.memory_space<hbm>>
      %dma_start3A_19 = tpu.memref_slice %arg3[%mul3A_6] : memref<327680xf32, #tpu.memory_space<hbm>> -> memref<10240xf32, #tpu.memory_space<hbm>>
      tpu.enqueue_dma source(%dma_start3A_19 : memref<10240xf32, #tpu.memory_space<hbm>>) target(%arg8 : memref<10240xf32, #tpu.memory_space<vmem>>) target_semaphore(%run_scoped3A : memref<!tpu.dma_semaphore, #tpu.memory_space<semaphore_mem>>)
      %dma_wait3A = tpu.memref_slice %arg3[%mul3A_6] : memref<327680xf32, #tpu.memory_space<hbm>> -> memref<10240xf32, #tpu.memory_space<hbm>>
      %dma_wait3A_20 = tpu.memref_slice %arg3[%mul3A_6] : memref<327680xf32, #tpu.memory_space<hbm>> -> memref<10240xf32, #tpu.memory_space<hbm>>
      tpu.wait_dma2 semaphore(%run_scoped3A : memref<!tpu.dma_semaphore, #tpu.memory_space<semaphore_mem>>) src(%dma_wait3A_20 : memref<10240xf32, #tpu.memory_space<hbm>>) dst(%arg8 : memref<10240xf32, #tpu.memory_space<vmem>>)
      tpu.yield
    }) : () -> ()
    %broadcast_in_dim3A = arith.constant 0.000000e+00 : f32
    %broadcast_in_dim3A_7 = vector.broadcast %broadcast_in_dim3A : f32 to vector<16xf32>
    %iota3A = tpu.iota {dimensions = array<i32: 0>} : vector<16xi32>
    %scan3A = arith.constant 0 : i32
    %scan3A_8 = arith.constant 0 : i32
    %scan3A_9 = arith.constant 2560 : i32
    %scan3A_10 = arith.addi %scan3A_8, %scan3A_9 : i32
    %scan3A_11 = arith.constant 1 : i32
    scf.for %scan3A_19 = %scan3A_8 to %scan3A_10 step %scan3A_11  : i32 {
      %mul3A_20 = arith.constant 16 : i32
      %mul3A_21 = arith.muli %scan3A_19, %mul3A_20 : i32
      %swap3A = arith.index_cast %mul3A_21 : i32 to index
      %swap3A_22 = tpu.vector_load %arg9[%swap3A] {strides = array<i32>} : memref<40960xf32, #tpu.memory_space<vmem>>, vector<16xf32>,
      tpu.vector_store %arg9[%swap3A], %broadcast_in_dim3A_7 {strides = array<i32>} : memref<40960xf32, #tpu.memory_space<vmem>>, vector<16xf32>,
    }
    %scan3A_12 = arith.constant 2560 : i32
    %scan3A_13 = arith.constant 0 : i32
    %scan3A_14 = arith.constant 0 : i32
    %scan3A_15 = arith.constant 20 : i32
    %scan3A_16 = arith.addi %scan3A_14, %scan3A_15 : i32
    %scan3A_17 = arith.constant 1 : i32
    scf.for %scan3A_19 = %scan3A_14 to %scan3A_16 step %scan3A_17  : i32 {
      %mul3A_20 = arith.constant 8 : i32
      %mul3A_21 = arith.muli %scan3A_19, %mul3A_20 : i32
      %scan3A_22 = arith.constant 0 : i32
      %scan3A_23 = arith.constant 0 : i32
      %scan3A_24 = arith.constant 32 : i32
      %scan3A_25 = arith.addi %scan3A_23, %scan3A_24 : i32
      %scan3A_26 = arith.constant 1 : i32
      scf.for %scan3A_37 = %scan3A_23 to %scan3A_25 step %scan3A_26  : i32 {
        %jit3A = arith.constant 4 : i32
        %div3A = arith.divsi %scan3A_37, %jit3A : i32
        %sign3A = arith.constant 0 : i32
        %sign3A_38 = arith.cmpi sgt, %scan3A_37, %sign3A : i32
        %sign3A_39 = arith.extui %sign3A_38 : i1 to i32
        %sign3A_40 = arith.constant 0 : i32
        %sign3A_41 = arith.cmpi slt, %scan3A_37, %sign3A_40 : i32
        %sign3A_42 = arith.extui %sign3A_41 : i1 to i32
        %sign3A_43 = arith.subi %sign3A_39, %sign3A_42 : i32
        %sign3A_44 = arith.constant 0 : i32
        %sign3A_45 = arith.cmpi sgt, %jit3A, %sign3A_44 : i32
        %sign3A_46 = arith.extui %sign3A_45 : i1 to i32
        %sign3A_47 = arith.constant 0 : i32
        %sign3A_48 = arith.cmpi slt, %jit3A, %sign3A_47 : i32
        %sign3A_49 = arith.extui %sign3A_48 : i1 to i32
        %sign3A_50 = arith.subi %sign3A_46, %sign3A_49 : i32
        %ne3A = arith.cmpi ne, %sign3A_43, %sign3A_50 : i32
        %rem3A = arith.remsi %scan3A_37, %jit3A : i32
        %ne3A_51 = arith.constant 0 : i32
        %ne3A_52 = arith.cmpi ne, %rem3A, %ne3A_51 : i32
        %and3A = arith.andi %ne3A, %ne3A_52 : i1
        %sub3A = arith.constant 1 : i32
        %sub3A_53 = arith.subi %div3A, %sub3A : i32
        %select_n3A = arith.select %and3A, %sub3A_53, %div3A : i32
        %jit3A_54 = arith.constant 4 : i32
        %eq3A = arith.constant 0 : i32
        %eq3A_55 = arith.cmpi eq, %jit3A_54, %eq3A : i32
        %jit3A_56 = arith.constant 1 : i32
        %select_n3A_57 = arith.select %eq3A_55, %jit3A_56, %jit3A_54 : i32
        %rem3A_58 = arith.remsi %scan3A_37, %select_n3A_57 : i32
        %ne3A_59 = arith.constant 0 : i32
        %ne3A_60 = arith.cmpi ne, %rem3A_58, %ne3A_59 : i32
        %lt3A = arith.constant 0 : i32
        %lt3A_61 = arith.cmpi slt, %rem3A_58, %lt3A : i32
        %lt3A_62 = arith.constant 0 : i32
        %lt3A_63 = arith.cmpi slt, %select_n3A_57, %lt3A_62 : i32
        %ne3A_64 = arith.xori %lt3A_61, %lt3A_63 : i1
        %and3A_65 = arith.andi %ne3A_64, %ne3A_60 : i1
        %add3A_66 = arith.addi %rem3A_58, %select_n3A_57 : i32
        %select_n3A_67 = arith.select %and3A_65, %add3A_66, %rem3A_58 : i32
        %add3A_68 = arith.addi %mul3A_21, %select_n3A : i32
        %mul3A_69 = arith.constant 64 : i32
        %mul3A_70 = arith.muli %add3A_68, %mul3A_69 : i32
        %mul3A_71 = arith.constant 16 : i32
        %mul3A_72 = arith.muli %select_n3A_67, %mul3A_71 : i32
        %add3A_73 = arith.addi %mul3A_70, %mul3A_72 : i32
        %get3A = arith.index_cast %add3A_73 : i32 to index
        %get3A_74 = tpu.vector_load %arg7[%get3A] {strides = array<i32>} : memref<10240xi32, #tpu.memory_space<vmem>>, vector<16xi32>,
        %get3A_75 = arith.index_cast %add3A_73 : i32 to index
        %get3A_76 = tpu.vector_load %arg8[%get3A_75] {strides = array<i32>} : memref<10240xf32, #tpu.memory_space<vmem>>, vector<16xf32>,
        %gather3A = tpu.vector_load_idx %arg6[%get3A_74] : memref<5120xf32, #tpu.memory_space<vmem>>[vector<16xi32>], vector<16xf32>,
        %add3A_77 = arith.addi %mul3A_2, %add3A_68 : i32
        %broadcast_in_dim3A_78 = vector.broadcast %add3A_77 : i32 to vector<16xi32>
        %gather3A_79 = tpu.vector_load_idx %arg6[%broadcast_in_dim3A_78] : memref<5120xf32, #tpu.memory_space<vmem>>[vector<16xi32>], vector<16xf32>,
        %mul3A_80 = arith.mulf %gather3A_79, %gather3A : vector<16xf32>
        %add3A_81 = arith.constant 1.000000e-10 : f32
        %add3A_82 = vector.broadcast %add3A_81 : f32 to vector<16xf32>
        %add3A_83 = arith.addf %mul3A_80, %add3A_82 : vector<16xf32>
        %bitcast3A = vector.bitcast %add3A_83 : vector<16xf32> to vector<16xi32>
        %shift_right_logical3A = arith.constant 1 : i32
        %shift_right_logical3A_84 = vector.broadcast %shift_right_logical3A : i32 to vector<16xi32>
        %shift_right_logical3A_85 = arith.shrui %bitcast3A, %shift_right_logical3A_84 : vector<16xi32>
        %sub3A_86 = arith.constant 1597463007 : i32
        %sub3A_87 = vector.broadcast %sub3A_86 : i32 to vector<16xi32>
        %sub3A_88 = arith.subi %sub3A_87, %shift_right_logical3A_85 : vector<16xi32>
        %bitcast3A_89 = vector.bitcast %sub3A_88 : vector<16xi32> to vector<16xf32>
        %mul3A_90 = arith.constant 5.000000e-01 : f32
        %mul3A_91 = vector.broadcast %mul3A_90 : f32 to vector<16xf32>
        %mul3A_92 = arith.mulf %mul3A_91, %add3A_83 : vector<16xf32>
        %mul3A_93 = arith.mulf %mul3A_92, %bitcast3A_89 : vector<16xf32>
        %mul3A_94 = arith.mulf %mul3A_93, %bitcast3A_89 : vector<16xf32>
        %sub3A_95 = arith.constant 1.500000e+00 : f32
        %sub3A_96 = vector.broadcast %sub3A_95 : f32 to vector<16xf32>
        %sub3A_97 = arith.subf %sub3A_96, %mul3A_94 : vector<16xf32>
        %mul3A_98 = arith.mulf %bitcast3A_89, %sub3A_97 : vector<16xf32>
        %mul3A_99 = arith.mulf %mul3A_92, %mul3A_98 : vector<16xf32>
        %mul3A_100 = arith.mulf %mul3A_99, %mul3A_98 : vector<16xf32>
        %sub3A_101 = arith.constant 1.500000e+00 : f32
        %sub3A_102 = vector.broadcast %sub3A_101 : f32 to vector<16xf32>
        %sub3A_103 = arith.subf %sub3A_102, %mul3A_100 : vector<16xf32>
        %mul3A_104 = arith.mulf %mul3A_98, %sub3A_103 : vector<16xf32>
        %mul3A_105 = arith.mulf %mul3A_92, %mul3A_104 : vector<16xf32>
        %mul3A_106 = arith.mulf %mul3A_105, %mul3A_104 : vector<16xf32>
        %sub3A_107 = arith.constant 1.500000e+00 : f32
        %sub3A_108 = vector.broadcast %sub3A_107 : f32 to vector<16xf32>
        %sub3A_109 = arith.subf %sub3A_108, %mul3A_106 : vector<16xf32>
        %mul3A_110 = arith.mulf %mul3A_104, %sub3A_109 : vector<16xf32>
        %mul3A_111 = arith.mulf %get3A_76, %mul3A_110 : vector<16xf32>
        %masked_sort3A = arith.constant dense<true> : vector<16xi1>
        %masked_sort3A_112 = arith.constant -2147483648 : i32
        %masked_sort3A_113 = vector.broadcast %masked_sort3A_112 : i32 to vector<16xi32>
        %masked_sort3A_114 = arith.xori %get3A_74, %masked_sort3A_113 : vector<16xi32>
        %masked_sort3A_115, %masked_sort3A_116, %masked_sort3A_117 = tpu.sort %masked_sort3A_114, %mul3A_111 masked %masked_sort3A : (vector<16xi32>, vector<16xf32>, vector<16xi1>) -> (vector<16xi1>, vector<16xi32>, vector<16xf32>)
        %masked_sort3A_118 = arith.xori %masked_sort3A_116, %masked_sort3A_113 : vector<16xi32>
        %broadcast_in_dim3A_119 = arith.constant true
        %broadcast_in_dim3A_120 = vector.broadcast %broadcast_in_dim3A_119 : i1 to vector<16xi1>
        %masked_cumsum3A = tpu.scan <sum>, %masked_sort3A_117 masked %broadcast_in_dim3A_120 : vector<16xf32>, vector<16xi1> -> vector<16xf32>
        %sub3A_121 = arith.subf %masked_cumsum3A, %masked_sort3A_117 : vector<16xf32>
        %sub3A_122 = arith.constant 1 : i32
        %sub3A_123 = vector.broadcast %sub3A_122 : i32 to vector<16xi32>
        %sub3A_124 = arith.subi %iota3A, %sub3A_123 : vector<16xi32>
        %max3A = arith.constant 0 : i32
        %max3A_125 = vector.broadcast %max3A : i32 to vector<16xi32>
        %max3A_126 = arith.maxsi %sub3A_124, %max3A_125 : vector<16xi32>
        %broadcast_in_dim3A_127 = vector.shape_cast %max3A_126 : vector<16xi32> to vector<16x1xi32>
        %gather3A_128 = vector.shape_cast %broadcast_in_dim3A_127 : vector<16x1xi32> to vector<16xi32>
        %gather3A_129 = tpu.dynamic_gather %masked_sort3A_118[%gather3A_128] in [0] : vector<16xi32>, vector<16xi32> -> vector<16xi32>
        %add3A_130 = arith.constant 1 : i32
        %add3A_131 = vector.broadcast %add3A_130 : i32 to vector<16xi32>
        %add3A_132 = arith.addi %iota3A, %add3A_131 : vector<16xi32>
        %min3A = arith.constant 15 : i32
        %min3A_133 = vector.broadcast %min3A : i32 to vector<16xi32>
        %min3A_134 = arith.minsi %add3A_132, %min3A_133 : vector<16xi32>
        %broadcast_in_dim3A_135 = vector.shape_cast %min3A_134 : vector<16xi32> to vector<16x1xi32>
        %gather3A_136 = vector.shape_cast %broadcast_in_dim3A_135 : vector<16x1xi32> to vector<16xi32>
        %gather3A_137 = tpu.dynamic_gather %masked_sort3A_118[%gather3A_136] in [0] : vector<16xi32>, vector<16xi32> -> vector<16xi32>
        %eq3A_138 = arith.constant 0 : i32
        %eq3A_139 = vector.broadcast %eq3A_138 : i32 to vector<16xi32>
        %eq3A_140 = arith.cmpi eq, %iota3A, %eq3A_139 : vector<16xi32>
        %ne3A_141 = arith.cmpi ne, %masked_sort3A_118, %gather3A_129 : vector<16xi32>
        %or3A = arith.ori %eq3A_140, %ne3A_141 : vector<16xi1>
        %eq3A_142 = arith.constant 15 : i32
        %eq3A_143 = vector.broadcast %eq3A_142 : i32 to vector<16xi32>
        %eq3A_144 = arith.cmpi eq, %iota3A, %eq3A_143 : vector<16xi32>
        %ne3A_145 = arith.cmpi ne, %masked_sort3A_118, %gather3A_137 : vector<16xi32>
        %or3A_146 = arith.ori %eq3A_144, %ne3A_145 : vector<16xi1>
        %jit3A_147 = arith.constant -3.000000e+38 : f32
        %broadcast_in_dim3A_148 = vector.broadcast %jit3A_147 : f32 to vector<16xf32>
        %select_n3A_149 = arith.select %or3A, %sub3A_121, %broadcast_in_dim3A_148 : vector<16xi1>, vector<16xf32>
        %broadcast_in_dim3A_150 = arith.constant true
        %broadcast_in_dim3A_151 = vector.broadcast %broadcast_in_dim3A_150 : i1 to vector<16xi1>
        %masked_cummax3A = tpu.scan <max>, %select_n3A_149 masked %broadcast_in_dim3A_151 : vector<16xf32>, vector<16xi1> -> vector<16xf32>
        %sub3A_152 = arith.subf %masked_cumsum3A, %masked_cummax3A : vector<16xf32>
        %mul3A_153 = arith.constant 5120 : i32
        %mul3A_154 = arith.muli %select_n3A, %mul3A_153 : i32
        %add3A_155 = vector.broadcast %mul3A_154 : i32 to vector<16xi32>
        %add3A_156 = arith.addi %masked_sort3A_118, %add3A_155 : vector<16xi32>
        tpu.vector_store_idx %arg9[%add3A_156], %sub3A_152 masked %or3A_146 {add = true} : memref<40960xf32, #tpu.memory_space<vmem>>[vector<16xi32>], vector<16xf32>, vector<16xi1>
      }
      %scan3A_27 = arith.constant 32 : i32
      %add3A_28 = arith.addi %mul3A_2, %mul3A_21 : i32
      %mul3A_29 = arith.constant 5120 : i32
      %mul3A_30 = arith.muli %add3A_28, %mul3A_29 : i32
      "tpu.region"() ({
        %run_scoped3A = tpu.sem_alloc : memref<!tpu.dma_semaphore, #tpu.memory_space<semaphore_mem>>
        %dma_start3A = tpu.memref_slice %arg5[%mul3A_30] : memref<26214400xf32, #tpu.memory_space<hbm>> -> memref<40960xf32, #tpu.memory_space<hbm>>
        %dma_start3A_37 = tpu.memref_slice %arg5[%mul3A_30] : memref<26214400xf32, #tpu.memory_space<hbm>> -> memref<40960xf32, #tpu.memory_space<hbm>>
        tpu.enqueue_dma source(%arg9 : memref<40960xf32, #tpu.memory_space<vmem>>) target(%dma_start3A_37 : memref<40960xf32, #tpu.memory_space<hbm>>) target_semaphore(%run_scoped3A : memref<!tpu.dma_semaphore, #tpu.memory_space<semaphore_mem>>)
        %dma_wait3A = tpu.memref_slice %arg5[%mul3A_30] : memref<26214400xf32, #tpu.memory_space<hbm>> -> memref<40960xf32, #tpu.memory_space<hbm>>
        %dma_wait3A_38 = tpu.memref_slice %arg5[%mul3A_30] : memref<26214400xf32, #tpu.memory_space<hbm>> -> memref<40960xf32, #tpu.memory_space<hbm>>
        tpu.wait_dma2 semaphore(%run_scoped3A : memref<!tpu.dma_semaphore, #tpu.memory_space<semaphore_mem>>) src(%arg9 : memref<40960xf32, #tpu.memory_space<vmem>>) dst(%dma_wait3A_38 : memref<40960xf32, #tpu.memory_space<hbm>>)
        tpu.yield
      }) : () -> ()
      %scan3A_31 = arith.constant 0 : i32
      %scan3A_32 = arith.constant 0 : i32
      %scan3A_33 = arith.constant 32 : i32
      %scan3A_34 = arith.addi %scan3A_32, %scan3A_33 : i32
      %scan3A_35 = arith.constant 1 : i32
      scf.for %scan3A_37 = %scan3A_32 to %scan3A_34 step %scan3A_35  : i32 {
        %jit3A = arith.constant 4 : i32
        %div3A = arith.divsi %scan3A_37, %jit3A : i32
        %sign3A = arith.constant 0 : i32
        %sign3A_38 = arith.cmpi sgt, %scan3A_37, %sign3A : i32
        %sign3A_39 = arith.extui %sign3A_38 : i1 to i32
        %sign3A_40 = arith.constant 0 : i32
        %sign3A_41 = arith.cmpi slt, %scan3A_37, %sign3A_40 : i32
        %sign3A_42 = arith.extui %sign3A_41 : i1 to i32
        %sign3A_43 = arith.subi %sign3A_39, %sign3A_42 : i32
        %sign3A_44 = arith.constant 0 : i32
        %sign3A_45 = arith.cmpi sgt, %jit3A, %sign3A_44 : i32
        %sign3A_46 = arith.extui %sign3A_45 : i1 to i32
        %sign3A_47 = arith.constant 0 : i32
        %sign3A_48 = arith.cmpi slt, %jit3A, %sign3A_47 : i32
        %sign3A_49 = arith.extui %sign3A_48 : i1 to i32
        %sign3A_50 = arith.subi %sign3A_46, %sign3A_49 : i32
        %ne3A = arith.cmpi ne, %sign3A_43, %sign3A_50 : i32
        %rem3A = arith.remsi %scan3A_37, %jit3A : i32
        %ne3A_51 = arith.constant 0 : i32
        %ne3A_52 = arith.cmpi ne, %rem3A, %ne3A_51 : i32
        %and3A = arith.andi %ne3A, %ne3A_52 : i1
        %sub3A = arith.constant 1 : i32
        %sub3A_53 = arith.subi %div3A, %sub3A : i32
        %select_n3A = arith.select %and3A, %sub3A_53, %div3A : i32
        %jit3A_54 = arith.constant 4 : i32
        %eq3A = arith.constant 0 : i32
        %eq3A_55 = arith.cmpi eq, %jit3A_54, %eq3A : i32
        %jit3A_56 = arith.constant 1 : i32
        %select_n3A_57 = arith.select %eq3A_55, %jit3A_56, %jit3A_54 : i32
        %rem3A_58 = arith.remsi %scan3A_37, %select_n3A_57 : i32
        %ne3A_59 = arith.constant 0 : i32
        %ne3A_60 = arith.cmpi ne, %rem3A_58, %ne3A_59 : i32
        %lt3A = arith.constant 0 : i32
        %lt3A_61 = arith.cmpi slt, %rem3A_58, %lt3A : i32
        %lt3A_62 = arith.constant 0 : i32
        %lt3A_63 = arith.cmpi slt, %select_n3A_57, %lt3A_62 : i32
        %ne3A_64 = arith.xori %lt3A_61, %lt3A_63 : i1
        %and3A_65 = arith.andi %ne3A_64, %ne3A_60 : i1
        %add3A_66 = arith.addi %rem3A_58, %select_n3A_57 : i32
        %select_n3A_67 = arith.select %and3A_65, %add3A_66, %rem3A_58 : i32
        %add3A_68 = arith.addi %mul3A_21, %select_n3A : i32
        %mul3A_69 = arith.constant 64 : i32
        %mul3A_70 = arith.muli %add3A_68, %mul3A_69 : i32
        %mul3A_71 = arith.constant 16 : i32
        %mul3A_72 = arith.muli %select_n3A_67, %mul3A_71 : i32
        %add3A_73 = arith.addi %mul3A_70, %mul3A_72 : i32
        %get3A = arith.index_cast %add3A_73 : i32 to index
        %get3A_74 = tpu.vector_load %arg7[%get3A] {strides = array<i32>} : memref<10240xi32, #tpu.memory_space<vmem>>, vector<16xi32>,
        %mul3A_75 = arith.constant 5120 : i32
        %mul3A_76 = arith.muli %select_n3A, %mul3A_75 : i32
        %add3A_77 = vector.broadcast %mul3A_76 : i32 to vector<16xi32>
        %add3A_78 = arith.addi %get3A_74, %add3A_77 : vector<16xi32>
        tpu.vector_store_idx %arg9[%add3A_78], %broadcast_in_dim3A_7 : memref<40960xf32, #tpu.memory_space<vmem>>[vector<16xi32>], vector<16xf32>,
      }
      %scan3A_36 = arith.constant 32 : i32
    }
    %scan3A_18 = arith.constant 20 : i32
    return
  }
}

module attributes {stable_mosaic.version = 14 : i64} {
  func.func @_attn_stats_body(%arg0: memref<1xf32, #tpu.memory_space<smem>>, %arg1: memref<5000x50xf32, #tpu.memory_space<vmem>>, %arg2: memref<5000x50xf32, #tpu.memory_space<vmem>>, %arg3: memref<5000x1xf32, #tpu.memory_space<vmem>>) attributes {dimension_semantics = [], scalar_prefetch = 0 : i64, scratch_operands = 0 : i64, tpu.core_type = #tpu.core_type<tc>} {
    %get3A = arith.constant 0 : index
    %get3A_0 = arith.constant 0 : index
    %get3A_1 = vector.load %arg1[%get3A, %get3A_0] : memref<5000x50xf32, #tpu.memory_space<vmem>>, vector<5000x50xf32>
    %get3A_2 = arith.constant 0 : index
    %get3A_3 = memref.load %arg0[%get3A_2] : memref<1xf32, #tpu.memory_space<smem>>
    %div3A = vector.broadcast %get3A_3 : f32 to vector<5000x50xf32>
    %div3A_4 = arith.divf %get3A_1, %div3A : vector<5000x50xf32>
    %exp3A = math.exp %div3A_4 : vector<5000x50xf32>
    %swap3A = arith.constant 0 : index
    %swap3A_5 = arith.constant 0 : index
    %swap3A_6 = vector.load %arg2[%swap3A, %swap3A_5] : memref<5000x50xf32, #tpu.memory_space<vmem>>, vector<5000x50xf32>
    tpu.vector_store %arg2[%swap3A, %swap3A_5], %exp3A {strides = array<i32>} : memref<5000x50xf32, #tpu.memory_space<vmem>>, vector<5000x50xf32>,
    %reduce_sum3A = arith.constant dense<0.000000e+00> : vector<5000xf32>
    %reduce_sum3A_7 = vector.multi_reduction <add>, %exp3A, %reduce_sum3A [1] : vector<5000x50xf32> to vector<5000xf32>
    %broadcast_in_dim3A = vector.shape_cast %reduce_sum3A_7 : vector<5000xf32> to vector<5000x1xf32>
    %swap3A_8 = arith.constant 0 : index
    %swap3A_9 = arith.constant 0 : index
    %swap3A_10 = vector.load %arg3[%swap3A_8, %swap3A_9] : memref<5000x1xf32, #tpu.memory_space<vmem>>, vector<5000x1xf32>
    tpu.vector_store %arg3[%swap3A_8, %swap3A_9], %broadcast_in_dim3A {strides = array<i32>} : memref<5000x1xf32, #tpu.memory_space<vmem>>, vector<5000x1xf32>,
    return
  }
}

module attributes {stable_mosaic.version = 14 : i64} {
  func.func @_sel_body(%arg0: i32, %arg1: i32, %arg2: memref<1024x1xi32, #tpu.memory_space<vmem>>, %arg3: memref<2000x1024xf32, #tpu.memory_space<vmem>>, %arg4: memref<1024x1024xf32, #tpu.memory_space<vmem>>) attributes {dimension_semantics = [#tpu.dimension_semantics<arbitrary>, #tpu.dimension_semantics<arbitrary>], iteration_bounds = array<i64: 5, 5>, scalar_prefetch = 0 : i64, scratch_operands = 0 : i64, tpu.core_type = #tpu.core_type<tc>, window_params = [{pipeline_mode = #tpu.pipeline_mode<synchronous>, transform_indices = @transform_0, window_bounds = array<i64: 1024, 1>}, {transform_indices = @transform_1, window_bounds = array<i64: 2000, 1024>}, {transform_indices = @transform_2, window_bounds = array<i64: 1024, 1024>}]} {
    %eq3A = arith.constant 0 : i32
    %eq3A_0 = arith.cmpi eq, %arg1, %eq3A : i32
    %convert_element_type3A = arith.extui %eq3A_0 : i1 to i32
    %cond3A = arith.constant 0 : i32
    %cond3A_1 = arith.cmpi ne, %convert_element_type3A, %cond3A : i32
    scf.if %cond3A_1 {
      %broadcast_in_dim3A = arith.constant 0.000000e+00 : f32
      %broadcast_in_dim3A_29 = vector.broadcast %broadcast_in_dim3A : f32 to vector<1024x1024xf32>
      %swap3A_30 = arith.constant 0 : index
      %swap3A_31 = arith.constant 0 : index
      %swap3A_32 = vector.load %arg4[%swap3A_30, %swap3A_31] : memref<1024x1024xf32, #tpu.memory_space<vmem>>, vector<1024x1024xf32>
      tpu.vector_store %arg4[%swap3A_30, %swap3A_31], %broadcast_in_dim3A_29 {strides = array<i32>} : memref<1024x1024xf32, #tpu.memory_space<vmem>>, vector<1024x1024xf32>,
    } else {
    }
    %iota3A = tpu.iota {dimensions = array<i32: 1>} : vector<1024x2000xi32>
    %mul3A = arith.constant 2000 : i32
    %mul3A_2 = arith.muli %arg1, %mul3A : i32
    %add3A = vector.broadcast %mul3A_2 : i32 to vector<1024x2000xi32>
    %add3A_3 = arith.addi %iota3A, %add3A : vector<1024x2000xi32>
    %get3A = arith.constant 0 : index
    %get3A_4 = arith.constant 0 : index
    %get3A_5 = vector.load %arg2[%get3A, %get3A_4] : memref<1024x1xi32, #tpu.memory_space<vmem>>, vector<1024x1xi32>
    %eq3A_6 = vector.broadcast %get3A_5 : vector<1024x1xi32> to vector<1024x2000xi32>
    %eq3A_7 = arith.cmpi eq, %eq3A_6, %add3A_3 : vector<1024x2000xi32>
    %convert_element_type3A_8 = arith.extui %eq3A_7 : vector<1024x2000xi1> to vector<1024x2000xi32>
    %convert_element_type3A_9 = arith.sitofp %convert_element_type3A_8 : vector<1024x2000xi32> to vector<1024x2000xf32>
    %convert_element_type3A_10 = arith.truncf %convert_element_type3A_9 : vector<1024x2000xf32> to vector<1024x2000xbf16>
    %get3A_11 = arith.constant 0 : index
    %get3A_12 = arith.constant 0 : index
    %get3A_13 = vector.load %arg4[%get3A_11, %get3A_12] : memref<1024x1024xf32, #tpu.memory_space<vmem>>, vector<1024x1024xf32>
    %get3A_14 = arith.constant 0 : index
    %get3A_15 = arith.constant 0 : index
    %get3A_16 = vector.load %arg3[%get3A_14, %get3A_15] : memref<2000x1024xf32, #tpu.memory_space<vmem>>, vector<2000x1024xf32>
    %convert_element_type3A_17 = arith.truncf %get3A_16 : vector<2000x1024xf32> to vector<2000x1024xbf16>
    %dot_general3A = arith.constant dense<0.000000e+00> : vector<1024x1024xf32>
    %dot_general3A_18 = tpu.matmul %convert_element_type3A_10, %convert_element_type3A_17, %dot_general3A {dimension_numbers = #tpu.dot_dimension_numbers<[1], [0], [0], [1], [0, 0, 1, 1], [], []>, transpose_lhs_hint = false} : vector<1024x2000xbf16>, vector<2000x1024xbf16>, vector<1024x1024xf32> -> vector<1024x1024xf32>
    %add3A_19 = arith.addf %get3A_13, %dot_general3A_18 : vector<1024x1024xf32>
    %swap3A = arith.constant 0 : index
    %swap3A_20 = arith.constant 0 : index
    %swap3A_21 = vector.load %arg4[%swap3A, %swap3A_20] : memref<1024x1024xf32, #tpu.memory_space<vmem>>, vector<1024x1024xf32>
    tpu.vector_store %arg4[%swap3A, %swap3A_20], %add3A_19 {strides = array<i32>} : memref<1024x1024xf32, #tpu.memory_space<vmem>>, vector<1024x1024xf32>,
    %eq3A_22 = arith.constant 4 : i32
    %eq3A_23 = arith.cmpi eq, %arg1, %eq3A_22 : i32
    %eq3A_24 = arith.constant 4 : i32
    %eq3A_25 = arith.cmpi eq, %arg0, %eq3A_24 : i32
    %and3A = arith.andi %eq3A_23, %eq3A_25 : i1
    %convert_element_type3A_26 = arith.extui %and3A : i1 to i32
    %cond3A_27 = arith.constant 0 : i32
    %cond3A_28 = arith.cmpi ne, %convert_element_type3A_26, %cond3A_27 : i32
    scf.if %cond3A_28 {
      %iota3A_29 = tpu.iota {dimensions = array<i32: 1>} : vector<1024x1024xi32>
      %lt3A = arith.constant 904 : i32
      %lt3A_30 = vector.broadcast %lt3A : i32 to vector<1024x1024xi32>
      %lt3A_31 = arith.cmpi slt, %iota3A_29, %lt3A_30 : vector<1024x1024xi32>
      %get3A_32 = arith.constant 0 : index
      %get3A_33 = arith.constant 0 : index
      %get3A_34 = vector.load %arg4[%get3A_32, %get3A_33] : memref<1024x1024xf32, #tpu.memory_space<vmem>>, vector<1024x1024xf32>
      %jit3A = arith.constant 0.000000e+00 : f32
      %broadcast_in_dim3A = vector.broadcast %jit3A : f32 to vector<1024x1024xf32>
      %select_n3A = arith.select %lt3A_31, %get3A_34, %broadcast_in_dim3A : vector<1024x1024xi1>, vector<1024x1024xf32>
      %swap3A_35 = arith.constant 0 : index
      %swap3A_36 = arith.constant 0 : index
      %swap3A_37 = vector.load %arg4[%swap3A_35, %swap3A_36] : memref<1024x1024xf32, #tpu.memory_space<vmem>>, vector<1024x1024xf32>
      tpu.vector_store %arg4[%swap3A_35, %swap3A_36], %select_n3A {strides = array<i32>} : memref<1024x1024xf32, #tpu.memory_space<vmem>>, vector<1024x1024xf32>,
    } else {
    }
    return
  }
  func.func @transform_0(%arg0: i32, %arg1: i32) -> (i32, i32) {
    %c0_i32 = arith.constant 0 : i32
    %c0_i32_0 = arith.constant 0 : i32
    %c0_i32_1 = arith.constant 0 : i32
    return %c0_i32, %c0_i32_0 : i32, i32
  }
  func.func @transform_1(%arg0: i32, %arg1: i32) -> (i32, i32) {
    %c0_i32 = arith.constant 0 : i32
    return %arg1, %arg0 : i32, i32
  }
  func.func @transform_2(%arg0: i32, %arg1: i32) -> (i32, i32) {
    %c0_i32 = arith.constant 0 : i32
    %c0_i32_0 = arith.constant 0 : i32
    return %c0_i32, %arg0 : i32, i32
  }
}

module attributes {stable_mosaic.version = 14 : i64} {
  func.func @_mm_body(%arg0: i32, %arg1: i32, %arg2: memref<1024x1024xf32, #tpu.memory_space<vmem>>, %arg3: memref<512x1024xf32, #tpu.memory_space<vmem>>, %arg4: memref<1024x512xf32, #tpu.memory_space<vmem>>) attributes {dimension_semantics = [#tpu.dimension_semantics<arbitrary>, #tpu.dimension_semantics<arbitrary>], iteration_bounds = array<i64: 10, 5>, scalar_prefetch = 0 : i64, scratch_operands = 0 : i64, tpu.core_type = #tpu.core_type<tc>, window_params = [{transform_indices = @transform_0, window_bounds = array<i64: 1024, 1024>}, {transform_indices = @transform_1, window_bounds = array<i64: 512, 1024>}, {transform_indices = @transform_2, window_bounds = array<i64: 1024, 512>}]} {
    %eq3A = arith.constant 0 : i32
    %eq3A_0 = arith.cmpi eq, %arg1, %eq3A : i32
    %convert_element_type3A = arith.extui %eq3A_0 : i1 to i32
    %cond3A = arith.constant 0 : i32
    %cond3A_1 = arith.cmpi ne, %convert_element_type3A, %cond3A : i32
    scf.if %cond3A_1 {
      %broadcast_in_dim3A = arith.constant 0.000000e+00 : f32
      %broadcast_in_dim3A_15 = vector.broadcast %broadcast_in_dim3A : f32 to vector<1024x512xf32>
      %swap3A_16 = arith.constant 0 : index
      %swap3A_17 = arith.constant 0 : index
      %swap3A_18 = vector.load %arg4[%swap3A_16, %swap3A_17] : memref<1024x512xf32, #tpu.memory_space<vmem>>, vector<1024x512xf32>
      tpu.vector_store %arg4[%swap3A_16, %swap3A_17], %broadcast_in_dim3A_15 {strides = array<i32>} : memref<1024x512xf32, #tpu.memory_space<vmem>>, vector<1024x512xf32>,
    } else {
    }
    %get3A = arith.constant 0 : index
    %get3A_2 = arith.constant 0 : index
    %get3A_3 = vector.load %arg4[%get3A, %get3A_2] : memref<1024x512xf32, #tpu.memory_space<vmem>>, vector<1024x512xf32>
    %get3A_4 = arith.constant 0 : index
    %get3A_5 = arith.constant 0 : index
    %get3A_6 = vector.load %arg2[%get3A_4, %get3A_5] : memref<1024x1024xf32, #tpu.memory_space<vmem>>, vector<1024x1024xf32>
    %convert_element_type3A_7 = arith.truncf %get3A_6 : vector<1024x1024xf32> to vector<1024x1024xbf16>
    %get3A_8 = arith.constant 0 : index
    %get3A_9 = arith.constant 0 : index
    %get3A_10 = vector.load %arg3[%get3A_8, %get3A_9] : memref<512x1024xf32, #tpu.memory_space<vmem>>, vector<512x1024xf32>
    %convert_element_type3A_11 = arith.truncf %get3A_10 : vector<512x1024xf32> to vector<512x1024xbf16>
    %dot_general3A = arith.constant dense<0.000000e+00> : vector<1024x512xf32>
    %dot_general3A_12 = tpu.matmul %convert_element_type3A_7, %convert_element_type3A_11, %dot_general3A {dimension_numbers = #tpu.dot_dimension_numbers<[1], [1], [0], [0], [0, 0, 1, 0], [], []>, transpose_lhs_hint = false} : vector<1024x1024xbf16>, vector<512x1024xbf16>, vector<1024x512xf32> -> vector<1024x512xf32>
    %add3A = arith.addf %get3A_3, %dot_general3A_12 : vector<1024x512xf32>
    %swap3A = arith.constant 0 : index
    %swap3A_13 = arith.constant 0 : index
    %swap3A_14 = vector.load %arg4[%swap3A, %swap3A_13] : memref<1024x512xf32, #tpu.memory_space<vmem>>, vector<1024x512xf32>
    tpu.vector_store %arg4[%swap3A, %swap3A_13], %add3A {strides = array<i32>} : memref<1024x512xf32, #tpu.memory_space<vmem>>, vector<1024x512xf32>,
    return
  }
  func.func @transform_0(%arg0: i32, %arg1: i32) -> (i32, i32) {
    %c0_i32 = arith.constant 0 : i32
    %c0_i32_0 = arith.constant 0 : i32
    return %c0_i32, %arg1 : i32, i32
  }
  func.func @transform_1(%arg0: i32, %arg1: i32) -> (i32, i32) {
    %c0_i32 = arith.constant 0 : i32
    return %arg0, %arg1 : i32, i32
  }
  func.func @transform_2(%arg0: i32, %arg1: i32) -> (i32, i32) {
    %c0_i32 = arith.constant 0 : i32
    %c0_i32_0 = arith.constant 0 : i32
    return %c0_i32, %arg0 : i32, i32
  }
}

</mosaic_0001>

<sc_bundles>
// kernel: kernel.6.cloned.1.call-start
scs
__scs_entry_jumppad:
0x0: {  	(pc) =	sbr.rel $0x88, $3  }
0x1: {  	(tag) =	ssettag $0x0;
	lr =	simm.s32 $0x1  }
0x2: {  	[smem:$0x3F9C] =	sst lr;
	_ =	strace $0xD0000000  }
0x3: {  	_ = 	snop  }
0x4: {  	_ = 	snop  }
0x5: {  	_ = 	snop  }
0x6: {  	_ = 	snop  }
0x7: {  	_ = 	snop  }
__scs_overlays_trampoline_lowered:
0x8: {  	[smem:$0x3FAB] =	sst s0  }
0x9: {  	[smem:$0x3FAC] =	sst s1  }
0xa: {  	[smem:$0x3FAD] =	sst s2  }
0xb: {  	[smem:$0x3FAE] =	sst s3  }
0xc: {  	[smem:$0x3FAF] =	sst s4  }
0xd: {  	[smem:$0x3FB0] =	sst s5  }
0xe: {  	[smem:$0x3FB1] =	sst s6  }
0xf: {  	[smem:$0x3FB2] =	sst s7  }
0x10: {  	[smem:$0x3FB3] =	sst s8  }
0x11: {  	[smem:$0x3FB4] =	sst s9;
	s0 =	simm.s32 @!p0 $0x0  }
0x12: {  	s1 =	sld [smem:$0x3F9A];
	s0 =	simm.s32 @p0 $0x1  }
0x13: {  	[smem:$0x3FB5] =	sst s0;
	s0 =	simm.s32 @!p1 $0x0  }
0x14: {  	s2 =	sld [smem:$0x3F99];
	s0 =	simm.s32 @p1 $0x1  }
0x15: {  	[smem:$0x3FB6] =	sst s0;
	s0 =	simm.s32 @!p2 $0x0  }
0x16: {  	s3 =	sld [smem:$0x3FDB];
	s0 =	simm.s32 @p2 $0x1  }
0x17: {  	s4 =	simm.s32 $0x1BF5;
	[smem:$0x3FB8] =	sst s0  }
0x18: {  	s0 =	sld [smem:$0x3F9B];
	_ =	swait.ge [sflag:s4], $0x0  }
0x19: {  	s7 =	sld [smem:$0x3F9C]  }
0x1a: {  	s8 =	sadd.s32 $0xFFFFE003, lr  }
0x1b: {  	s9 =	sadd.s32 $0xFFFFFEF7, lr;
	s5 =	simm.s32 $0xFFFFFFFF;
	p2 =	slt.u32 s8, $0xFFFFF086  }
0x1c: {  	p1 =	slt.u32 s9, $0xF7A;
	s5 =	simm.s32 @!p2 $0x0  }
0x1d: {  	s5 =	simm.s32 @p1 $0x1;
	p0 =	seq.s32 s7, s2  }
0x1e: {  	s7 =	smul.u32 @!p0 $0xF7A, s2;
	p2 =	seq.s32 @!p0 s5, $0x0  }
0x1f: {  	s9 =	smul.u32 $0xF7A, s1;
	s8 =	simm.s32 @!p0 $0x1BF5;
	p2 =	por !p2, p0  }
0x20: {  	[sflag:s8] =	ssyncset.s32 @!p0 $0xFFFFF086;
	s6 =	sadd.s32 @!p0 s3, s7;
	s7 =	simm.s32 @!p0 $0x108  }
0x21: {  	s3 =	sadd.s32 s3, s9;
	s6 =	sadd.s32 @!p0 $0x88, s6;
	s7 =	simm.s32 @p2 $0x1082  }
0x22: {  	[simem:s7], [sflag:s8] =	dma.local @!p0 [hbm:s6], $0xF7A  }
0x23: {  	s9 =	sor.u32 $0xD0000000, s2;
	s6 =	simm.s32 $0x108;
	_ =	swait.ge @!p0 [sflag:s8], $0x0  }
0x24: {  	s3 =	sadd.s32 $0x88, s3;
	s6 =	simm.s32 @!p1 $0x1082;
	[sflag:s4] =	ssyncset.s32 $0xFFFFF086  }
0x25: {  	[simem:s6], [sflag:s4] =	dma.local [hbm:s3], $0xF7A  }
0x26: {  	[smem:$0x3F9C] =	sst s1;
	(tag) =	ssettag s2;
	_ =	strace s9  }
0x27: {  	s1 =	sld [smem:$0x3FAC]  }
0x28: {  	s2 =	sld [smem:$0x3FAD]  }
0x29: {  	s4 =	sld [smem:$0x3FAF]  }
0x2a: {  	p0 =	seq.s32 s5, $0x0;
	s5 =	sld [smem:$0x3FB0]  }
0x2b: {  	s6 =	sld [smem:$0x3FB1]  }
0x2c: {  	s7 =	sld [smem:$0x3FB2]  }
0x2d: {  	s3 =	simm.s32 $0x108;
	s8 =	sld [smem:$0x3FB3]  }
0x2e: {  	s3 =	simm.s32 @!p0 $0x1082;
	s9 =	sld [smem:$0x3FB4]  }
0x2f: {  	lr =	sadd.s32 s0, s3;
	s0 =	sld [smem:$0x3FAB]  }
0x30: {  	s3 =	sld [smem:$0x3FAE]  }
0x31: {  	[smem:$0x3FB7] =	sst s10  }
0x32: {  	s10 =	sld [smem:$0x3FB5];
	_ =	sdelay $0x3  }
0x33: {  	p0 =	seq.s32 s10, $0x1;
	s10 =	sld [smem:$0x3FB7];
	_ =	sdelay $0x3  }
0x34: {  	[smem:$0x3FB7] =	sst s10  }
0x35: {  	s10 =	sld [smem:$0x3FB6];
	_ =	sdelay $0x3  }
0x36: {  	p1 =	seq.s32 s10, $0x1;
	s10 =	sld [smem:$0x3FB7];
	_ =	sdelay $0x3  }
0x37: {  	[smem:$0x3FB7] =	sst s10  }
0x38: {  	s10 =	sld [smem:$0x3FB8]  }
0x39: {  	_ = 	snop;
	(pc) =	sbr.ind lr, $3  }
0x3a: {  	_ = 	snop  }
0x3b: {  	_ = 	snop  }
0x3c: {  	p2 =	seq.s32 s10, $0x1;
	s10 =	sld [smem:$0x3FB7]  }
0x3d: {  	_ =	shalt  }
0x3e: {  	_ =	shalt  }
0x3f: {  	_ =	shalt  }
0x40: {  	_ =	shalt  }
0x41: {  	_ =	shalt  }
0x42: {  	_ =	shalt  }
0x43: {  	_ =	shalt  }
0x44: {  	_ =	shalt  }
0x45: {  	_ =	shalt  }
0x46: {  	_ =	shalt  }
0x47: {  	_ =	shalt  }
0x48: {  	_ =	shalt  }
0x49: {  	_ =	shalt  }
0x4a: {  	_ =	shalt  }
0x4b: {  	_ =	shalt  }
0x4c: {  	_ =	shalt  }
0x4d: {  	_ =	shalt  }
0x4e: {  	_ =	shalt  }
0x4f: {  	_ =	shalt  }
0x50: {  	_ =	shalt  }
0x51: {  	_ =	shalt  }
0x52: {  	_ =	shalt  }
0x53: {  	_ =	shalt  }
0x54: {  	_ =	shalt  }
0x55: {  	_ =	shalt  }
0x56: {  	_ =	shalt  }
0x57: {  	_ =	shalt  }
0x58: {  	_ =	shalt  }
0x59: {  	_ =	shalt  }
0x5a: {  	_ =	shalt  }
0x5b: {  	_ =	shalt  }
0x5c: {  	_ =	shalt  }
0x5d: {  	_ =	shalt  }
0x5e: {  	_ =	shalt  }
0x5f: {  	_ =	shalt  }
0x60: {  	_ =	shalt  }
0x61: {  	_ =	shalt  }
0x62: {  	_ =	shalt  }
0x63: {  	_ =	shalt  }
0x64: {  	_ =	shalt  }
0x65: {  	_ =	shalt  }
0x66: {  	_ =	shalt  }
0x67: {  	_ =	shalt  }
0x68: {  	_ =	shalt  }
0x69: {  	_ =	shalt  }
0x6a: {  	_ =	shalt  }
0x6b: {  	_ =	shalt  }
0x6c: {  	_ =	shalt  }
0x6d: {  	_ =	shalt  }
0x6e: {  	_ =	shalt  }
0x6f: {  	_ =	shalt  }
0x70: {  	_ =	shalt  }
0x71: {  	_ =	shalt  }
0x72: {  	_ =	shalt  }
0x73: {  	_ =	shalt  }
0x74: {  	_ =	shalt  }
0x75: {  	_ =	shalt  }
0x76: {  	_ =	shalt  }
0x77: {  	_ =	shalt  }
0x78: {  	_ =	shalt  }
0x79: {  	_ =	shalt  }
0x7a: {  	_ =	shalt  }
0x7b: {  	_ =	shalt  }
0x7c: {  	_ =	shalt  }
0x7d: {  	_ =	shalt  }
0x7e: {  	_ =	shalt  }
0x7f: {  	_ =	shalt  }
0x80: {  	_ =	shalt  }
0x81: {  	_ =	shalt  }
0x82: {  	_ =	shalt  }
0x83: {  	_ =	shalt  }
0x84: {  	_ =	shalt  }
0x85: {  	_ =	shalt  }
0x86: {  	_ =	shalt  }
0x87: {  	_ =	shalt  }
.Lfunc_end0:
.L_simem_size_0:
called_computation_lowered:
.L_overlay_start_0:
0x88: {  	s2 =	sld [smem:$0x3FD9]  }
0x89: {  	s3 =	sld [smem:$0x3FFE];
	_ =	sdelay $0x1  }
0x8a: {  	s1 =	srdreg.scid  }
0x8b: {  	s0 =	sand.u32 $0x1, s1  }
0x8c: {  	s17 =	sshll.u32 s0, $0xA;
	s2 =	sadd.s32 s3, s2  }
0x8d: {  	s2 =	sadd.s32 s2, s17  }
0x8e: {  	[smem:$0x3FC3] =	sst s2  }
0x8f: {  	_ = 	snop  }
0x90: {  	s2 =	sld [smem:$0x3FD0];
	(tm) =	ssettm $0x1  }
0x91: {  	s18 =	sld [smem:$0x3FFB];
	_ =	sdelay $0x3  }
0x92: {  	_ =	strace s18  }
0x93: {  	s3 =	sld [smem:$0x3FFC];
	_ =	sdelay $0x3  }
0x94: {  	_ =	strace s3  }
0x95: {  	s3 =	sld [smem:$0x3FFD];
	_ =	sdelay $0x3  }
0x96: {  	_ =	strace s3  }
0x97: {  	_ =	strace $0x8FFFFFFF  }
0x98: {  	s19 =	sld [smem:$0x3FDB];
	_ =	sdelay $0x1  }
0x99: {  	s4 =	simm.s32 $_scs_section_size  }
0x9a: {  	s5 =	simm.s32 $_size__tile_overlayer_lowered;
	s6 =	simm.s32 $_tile_overlayer_lowered  }
0x9b: {  	s22 =	simm.s32 $0x1BFF;
	s21 =	sshll.u32 s6, $0x1;
	s3 =	sadd.s32 s4, s19  }
0x9c: {  	s7 =	simm.s32 $0x0;
	s20 =	sshll.u32 s5, $0x1;
	s5 =	sadd.s32 s21, s3  }
0x9d: {  	[timem:s7], [sflag:s22] =	dma.local [hbm:s5], s20  }
0x9e: {  	_ =	swait.ge [sflag:s22], s20  }
0x9f: {  	s4 =	ssub.s32 $0x0, s20;
	[sflag:s22] =	ssyncset.done $0x0  }
0xa0: {  	[sflag:s22] =	ssyncadd.s32 s4;
	_ =	sdelay $0x1  }
0xa1: {  	s23 =	simm.s32 $0x1B8B  }
0xa2: {  	_ =	swait.ge [sflag:s23], $0x1  }
0xa3: {  	[sflag:s23] =	ssyncset.done $0x0  }
0xa4: {  	s25 =	simm.s32 $0x1B8E;
	s24 =	sld [smem:$0x3FFE];
	[sflag:s23] =	ssyncadd.s32 $0xFFFFFFFF  }
0xa5: {  	s26 =	simm.s32 $execute0_lowered;
	[smem:$0x3FD2] =	sst s25  }
0xa6: {  	s5 =	sshll.u32 s26, $0x1;
	_ =	strace $0x80000046;
	[dreg:$0x1] =	wrdreg $0xFFFFFFFF  }
0xa7: {  	s28 =	simm.s32 $_size_execute0_lowered;
	s3 =	sadd.s32 s3, s5;
	[dreg:$0x0] =	wrdreg $0x0  }
0xa8: {  	s5 =	sshll.u32 s28, $0x1;
	[dreg:$0x2] =	wrdreg s3  }
0xa9: {  	[dreg:$0x3] =	wrdreg s5  }
0xaa: {  	[dreg:$0x4] =	wrdreg $0xC0  }
0xab: {  	_ =	task [dreg:s7], $0x5FFFF  }
0xac: {  	[dreg:$0x1] =	wrdreg $0xFFFFFFFF  }
0xad: {  	[dreg:$0x0] =	wrdreg $0x60  }
0xae: {  	[dreg:$0x2] =	wrdreg s2  }
0xaf: {  	[dreg:$0x3] =	wrdreg s24  }
0xb0: {  	[dreg:$0x4] =	wrdreg $0x9  }
0xb1: {  	_ =	task.clear_ibuf [dreg:s7], $0x5FFFF;
	_ =	strace $0x90000046  }
0xb2: {  	s29 =	simm.s32 $0x9;
	_ =	strace $0x80000048  }
0xb3: {  	_ =	swait.ge [sflag:s29], $0x1  }
0xb4: {  	[sflag:s29] =	ssyncadd.s32 $0xFFFFFFFF  }
0xb5: {  	_ =	strace $0x90000048  }
0xb6: {  	_ =	sfence  }
0xb7: {  	s30 =	sld [smem:$0x0];
	_ =	sdelay $0x2  }
0xb8: {  	s31 =	sshll.u32 s1, $0xD;
	s1 =	sshrl.u32 s1, $0x2  }
0xb9: {  	s3 =	sand.u32 $0x4000, s31;
	s1 =	sadd.s32 s1, s30  }
0xba: {  	s0 =	sor.u32 s3, s0;
	s1 =	sshll.u32 s1, $0x11  }
0xbb: {  	s0 =	sor.u32 s1, s0  }
0xbc: {  	s0 =	sadd.s32 $0x8F2B, s0  }
0xbd: {  	[sflag:s0] =	ssyncadd.remote.s32 $0x1  }
0xbe: {  	_ =	sfence.sel $0xFFFF  }
0xbf: {  	[dreg:$0x0] =	wrdreg $0xFFFFFFFF;
	(pc) =	sbr.abs _section_cstart, $3  }
0xc0: {  	[dreg:$0x1] =	wrdreg $0xFFFFFFFF  }
0xc1: {  	_ =	task.clear_ibuf [dreg:s7], $0x2FFFF;
	_ =	strace $0x9FFFFFFF  }
0xc2: {  	(tm) =	ssettm $0x7FFFFFFF  }
0xc3: {  	_ =	shalt  }
tec
execute0_lowered:
.L_overlay_start_1:
0x0: {  	(tag) =	ssettag $0x1  }
0x1: {  	s1 =	srdreg.scid  }
0x2: {  	s0 =	stileid.u32;
	s6 =	rddreg [dreg:$0x0]  }
0x3: {  	s4 =	rddreg [dreg:$0x1];
	s2 =	simm.s32 $0x0;
	s11 =	simm.s32 $0x3C00  }
0x4: {  	v0 =	vimm.s32 $0xEDCBA987;
	v1 =	vimm.s32 $0x65432100;
	s12 =	simm.s32 $0x6400;
	s3 =	sand.u32 $0x1, s1;
	s1 =	rddreg [dreg:$0x2]  }
0x5: {  	v2 =	vimm.s32 $0xFFEDCBA9;
	v3 =	vimm.s32 $0x87654321;
	s13 =	simm.s32 $0x0;
	s31 =	sshll.u32 s0, $0x1;
	v0 =	vunpack.c.l.s4.s8 v0;
	[smem:$0x7FF] =	sst s2  }
0x6: {  	v1 =	vunpack.c.l.s4.s8 v1;
	v2 =	vunpack.c.l.s4.s8 v2;
	v3 =	vunpack.c.l.s4.s8 v3;
	s5 =	sor.u32 s3, s31;
	s8 =	ssub.s32 $0x2, s3;
	_ =	strace $0x80000047  }
0x7: {  	s3 =	sadd.s32 $0xA800, s4;
	s7 =	smul.u32 $0x500, s5;
	s10 =	sshrl.u32 s8, $0x1;
	v0 =	vunpack.c.0.s8.s32 v0  }
0x8: {  	v1 =	vunpack.c.0.s8.s32 v1;
	s5 =	smul.u32 $0xA0, s5;
	v2 =	vunpack.c.0.s8.s32 v2;
	v3 =	vunpack.c.0.s8.s32 v3;
	s8 =	ssub.s32 s8, s10;
	s10 =	simm.s32 $0x1400  }
0x9: {  	vm0 =	vmmov $0x1;
	vm1 =	vcmask $0x3F3C;
	s9 =	sadd.s32 s7, s4;
	s4 =	sadd.s32 $0xAC00, s4;
	s6 =	sadd.s32 s6, s7;
	v0 =	vand.u32 $0xF, v0  }
0xa: {  	s8 =	smax.u32 s8, $0x1;
	v2 =	vcombine.low v3, v2;
	s7 =	sadd.s32 $0x800, s9;
	s9 =	simm.s32 $0x1;
	v0 =	vcombine.low v1, v0;
	v1 =	vimm.f32 $0.0e+00  }
.LBB2_1:
0xb: {  	[tilespmem:s2], [sflag:$0x1] =	stream.linear.gather [hbm4b:s3+s2], $0x1400, $0x38;
	[tilespmem:$0x10400] =	vst v63  }
0xc: {  	_ =	swait.ge [sflag:s9], $0x1400  }
0xd: {  	[sflag:s9] =	ssyncset.done $0x0  }
0xe: {  	[sflag:s9] =	ssyncadd.s32 $0xFFFFEC00  }
0xf: {  	[tilespmem:s10], [sflag:$0x1] =	stream.linear.gather [hbm4b:s6+s2], $0x2800, $0x38;
	[tilespmem:$0x10400] =	vst v63  }
0x10: {  	_ =	swait.ge [sflag:s9], $0x2800  }
0x11: {  	[sflag:s9] =	ssyncset.done $0x0  }
0x12: {  	[sflag:s9] =	ssyncadd.s32 $0xFFFFD800  }
0x13: {  	[tilespmem:s11], [sflag:$0x1] =	stream.linear.gather [hbm4b:s7+s2], $0x2800, $0x38;
	[tilespmem:$0x10400] =	vst v63  }
0x14: {  	_ =	swait.ge [sflag:s9], $0x2800  }
0x15: {  	[sflag:s9] =	ssyncset.done $0x0  }
0x16: {  	s14 =	simm.s32 $0x40;
	s15 =	simm.s32 $0x0;
	[sflag:s9] =	ssyncadd.s32 $0xFFFFD800  }
.LBB2_2:
0x17: {  	p0 =	sne.s32 s14, $0x27FC0;
	[tilespmem:s15+$0x6400] =	vst v1;
	s15 =	smov.u32 s14;
	s14 =	sadd.s32 $0x40, s14  }
.Ltmp0:
0x18: {  	(pc) =	sbr.rel @p0 .LBB2_2-.Ltmp0, $2  }
0x19: {  	_ =	sdelay $0x2  }
0x1a: {  	s15 =	sshra.s32 s15, $0x2  }
0x1b: {  	[tilespmem:s15+$0x6400] =	vst v1;
	s14 =	simm.s32 $0x0;
	s15 =	simm.s32 $0x0  }
.LBB2_4:
0x1c: {  	s16 =	sshll.u32 s15, $0x3;
	s17 =	simm.s32 $0x0  }
0x1d: {  	s18 =	sor.u32 s16, s17  }
0x1e: {  	s20 =	sand.u32 $0x30, s14;
	s19 =	sshll.u32 s18, $0x6  }
0x1f: {  	s19 =	sor.u32 s20, s19  }
0x20: {  	v3 =	vld [tilespmem:s19+$0x1400]  }
0x21: {  	s18 =	sadd.s32 s5, s18  }
0x22: {  	v4 =	vmov s18;
	_ =	sdelay $0x4  }
0x23: {  	v4 =	vld.idx.msk [tilespmem:v4+s2+$0x0], $0xffff  }
0x24: {  	v5 =	vld.idx.msk [tilespmem:v3+s2+$0x0], $0xffff;
	_ =	sdelay $0x4  }
0x25: {  	v4 =	vmul.f32 v4, v5;
	_ =	sdelay $0x1  }
0x26: {  	v4 =	vadd.f32 $1.000000010e-10, v4;
	_ =	sdelay $0x1  }
0x27: {  	v5 =	vshrl.u32 v4, $0x1;
	v4 =	vmul.f32 $5.000000000e-01, v4  }
0x28: {  	v5 =	vsub.s32 $0x5F3759DF, v5  }
0x29: {  	v6 =	vmul.f32 v5, v4;
	_ =	sdelay $0x1  }
0x2a: {  	v6 =	vmul.f32 v5, v6;
	_ =	sdelay $0x1  }
0x2b: {  	v6 =	vsub.f32 $1.500000000e+00, v6;
	_ =	sdelay $0x1  }
0x2c: {  	v5 =	vmul.f32 v5, v6;
	_ =	sdelay $0x1  }
0x2d: {  	v6 =	vmul.f32 v5, v4;
	_ =	sdelay $0x1  }
0x2e: {  	v6 =	vmul.f32 v6, v5;
	_ =	sdelay $0x1  }
0x2f: {  	v6 =	vsub.f32 $1.500000000e+00, v6;
	_ =	sdelay $0x1  }
0x30: {  	v5 =	vmul.f32 v6, v5;
	_ =	sdelay $0x1  }
0x31: {  	v4 =	vmul.f32 v5, v4;
	_ =	sdelay $0x1  }
0x32: {  	v4 =	vmul.f32 v4, v5  }
0x33: {  	v6 =	vld [tilespmem:s19+$0x3C00]  }
0x34: {  	v4 =	vsub.f32 $1.500000000e+00, v4;
	_ =	sdelay $0x1  }
0x35: {  	v4 =	vmul.f32 v4, v5;
	_ =	sdelay $0x1  }
0x36: {  	v4 =	vmul.f32 v4, v6  }
0x37: {  	v3 =	vxor.u32 $0x80000000, v3  }
0x38: {  	(xrf1) =	vsort.ascd.msk.u32 $0xffff, v3, v4;
	_ =	sdelay $0xd  }
0x39: {  	v4, v5, _ =	vpop (xrf1)  }
0x3a: {  	(xrf2) =	vadd.scan.msk.f32 $0xffff, v5;
	_ =	sdelay $0x7  }
0x3b: {  	v6 =	vxor.u32 $0x80000000, v4  }
0x3c: {  	v7 =	vperm.xlane v6, v0  }
0x3d: {  	v3, _, _ =	vpop (xrf2)  }
0x3e: {  	vm2 =	vne.s32 v6, v7;
	v5 =	vsub.f32 v3, v5  }
0x3f: {  	vm2 =	vmor vm2, vm0  }
0x40: {  	v5 =	vnsel vm2, $0xFF61B1E6, v5  }
0x41: {  	s17 =	smul.u32 $0x1400, s17;
	(xrf0) =	vmax.scan.msk.f32 $0xffff, v5;
	v5 =	vperm.xlane v6, v2;
	_ =	sdelay $0x1  }
0x42: {  	v7 =	vadd.s32 s17, v6;
	vm2 =	vne.s32 v6, v5  }
0x43: {  	v4 =	vand.u32 $0x7F, v4;
	v5 =	vand.u32 $0xFFFFFF80, v7;
	vm2 =	vmor vm2, vm1  }
0x44: {  	v4 =	vor.u32 v4, v5;
	_ =	sdelay $0x1  }
0x45: {  	s18 =	simm.s32 $0x0;
	s19 =	simm.s32 $0x2;
	s17 =	simm.s32 $0x0;
	v5, _, _ =	vpop (xrf0)  }
.LBB2_5:
0x46: {  	p0 =	sne.s32 s19, $0x1F;
	s20 =	sor.u32 s16, s17;
	v3 =	vsub.f32 v3, v5;
	s18 =	sadd.s32 $0x10, s18  }
0x47: {  	s21 =	sshll.u32 s20, $0x6;
	s22 =	sand.u32 $0x30, s18  }
0x48: {  	s21 =	sor.u32 s22, s21;
	[tilespmem:v4+s12+$0x0] =	vst.idx.add.f32.msk vm2, v3  }
0x49: {  	v3 =	vld [tilespmem:s21+$0x1400]  }
0x4a: {  	s20 =	sadd.s32 s5, s20  }
0x4b: {  	v4 =	vmov s20;
	_ =	sdelay $0x4  }
0x4c: {  	v4 =	vld.idx.msk [tilespmem:v4+s2+$0x0], $0xffff  }
0x4d: {  	v5 =	vld.idx.msk [tilespmem:v3+s2+$0x0], $0xffff;
	_ =	sdelay $0x5  }
0x4e: {  	v4 =	vmul.f32 v4, v5;
	_ =	sdelay $0x1  }
0x4f: {  	v4 =	vadd.f32 $1.000000010e-10, v4;
	_ =	sdelay $0x1  }
0x50: {  	v5 =	vshrl.u32 v4, $0x1;
	v4 =	vmul.f32 $5.000000000e-01, v4  }
0x51: {  	v5 =	vsub.s32 $0x5F3759DF, v5  }
0x52: {  	v6 =	vmul.f32 v5, v4;
	_ =	sdelay $0x1  }
0x53: {  	v6 =	vmul.f32 v5, v6;
	_ =	sdelay $0x1  }
0x54: {  	v6 =	vsub.f32 $1.500000000e+00, v6;
	_ =	sdelay $0x1  }
0x55: {  	v5 =	vmul.f32 v5, v6;
	_ =	sdelay $0x1  }
0x56: {  	v6 =	vmul.f32 v5, v4;
	_ =	sdelay $0x1  }
0x57: {  	v6 =	vmul.f32 v6, v5;
	_ =	sdelay $0x1  }
0x58: {  	v6 =	vsub.f32 $1.500000000e+00, v6;
	_ =	sdelay $0x1  }
0x59: {  	v5 =	vmul.f32 v6, v5;
	_ =	sdelay $0x1  }
0x5a: {  	v4 =	vmul.f32 v5, v4;
	_ =	sdelay $0x1  }
0x5b: {  	v4 =	vmul.f32 v4, v5  }
0x5c: {  	v6 =	vld [tilespmem:s21+$0x3C00]  }
0x5d: {  	v4 =	vsub.f32 $1.500000000e+00, v4;
	_ =	sdelay $0x1  }
0x5e: {  	v4 =	vmul.f32 v4, v5;
	_ =	sdelay $0x1  }
0x5f: {  	v4 =	vmul.f32 v4, v6  }
0x60: {  	v3 =	vxor.u32 $0x80000000, v3  }
0x61: {  	(xrf1) =	vsort.ascd.msk.u32 $0xffff, v3, v4;
	_ =	sdelay $0xd  }
0x62: {  	v4, v5, _ =	vpop (xrf1)  }
0x63: {  	(xrf2) =	vadd.scan.msk.f32 $0xffff, v5;
	_ =	sdelay $0x7  }
0x64: {  	v6 =	vxor.u32 $0x80000000, v4  }
0x65: {  	v7 =	vperm.xlane v6, v0  }
0x66: {  	v3, _, _ =	vpop (xrf2)  }
0x67: {  	vm2 =	vne.s32 v6, v7;
	v5 =	vsub.f32 v3, v5  }
0x68: {  	vm2 =	vmor vm2, vm0  }
0x69: {  	v5 =	vnsel vm2, $0xFF61B1E6, v5  }
0x6a: {  	s17 =	smul.u32 $0x1400, s17;
	v7 =	vperm.xlane v6, v2;
	(xrf0) =	vmax.scan.msk.f32 $0xffff, v5;
	_ =	sdelay $0x1  }
.Ltmp1:
0x6b: {  	vm2 =	vne.s32 v6, v7;
	v5 =	vadd.s32 s17, v6;
	(pc) =	sbr.rel @p0 .LBB2_5-.Ltmp1, $3  }
0x6c: {  	v4 =	vand.u32 $0x7F, v4;
	vm2 =	vmor vm2, vm1;
	v5 =	vand.u32 $0xFFFFFF80, v5  }
0x6d: {  	v4 =	vor.u32 v4, v5;
	_ =	sdelay $0x1  }
0x6e: {  	s17 =	sshrl.u32 s19, $0x2;
	s19 =	sadd.s32 $0x1, s19;
	v5, _, _ =	vpop (xrf0)  }
0x6f: {  	_ =	sdelay $0x2  }
0x70: {  	s19 =	sor.u32 s16, s17;
	v3 =	vsub.f32 v3, v5;
	s18 =	sadd.s32 $0x10, s18  }
0x71: {  	s20 =	sshll.u32 s19, $0x6;
	s18 =	sand.u32 $0x30, s18  }
0x72: {  	s18 =	sor.u32 s18, s20;
	[tilespmem:v4+s12+$0x0] =	vst.idx.add.f32.msk vm2, v3  }
0x73: {  	v3 =	vld [tilespmem:s18+$0x1400]  }
0x74: {  	s19 =	sadd.s32 s5, s19  }
0x75: {  	v4 =	vmov s19;
	_ =	sdelay $0x4  }
0x76: {  	v4 =	vld.idx.msk [tilespmem:v4+s2+$0x0], $0xffff  }
0x77: {  	v5 =	vld.idx.msk [tilespmem:v3+s2+$0x0], $0xffff;
	_ =	sdelay $0x4  }
0x78: {  	v4 =	vmul.f32 v4, v5;
	_ =	sdelay $0x1  }
0x79: {  	v4 =	vadd.f32 $1.000000010e-10, v4;
	_ =	sdelay $0x1  }
0x7a: {  	v5 =	vshrl.u32 v4, $0x1;
	v4 =	vmul.f32 $5.000000000e-01, v4  }
0x7b: {  	v5 =	vsub.s32 $0x5F3759DF, v5  }
0x7c: {  	v6 =	vmul.f32 v5, v4;
	_ =	sdelay $0x1  }
0x7d: {  	v6 =	vmul.f32 v5, v6;
	_ =	sdelay $0x1  }
0x7e: {  	v6 =	vsub.f32 $1.500000000e+00, v6;
	_ =	sdelay $0x1  }
0x7f: {  	v5 =	vmul.f32 v5, v6;
	_ =	sdelay $0x1  }
0x80: {  	v6 =	vmul.f32 v5, v4;
	_ =	sdelay $0x1  }
0x81: {  	v6 =	vmul.f32 v6, v5;
	_ =	sdelay $0x1  }
0x82: {  	v6 =	vsub.f32 $1.500000000e+00, v6;
	_ =	sdelay $0x1  }
0x83: {  	v5 =	vmul.f32 v6, v5;
	_ =	sdelay $0x1  }
0x84: {  	v4 =	vmul.f32 v5, v4;
	_ =	sdelay $0x1  }
0x85: {  	v4 =	vmul.f32 v4, v5  }
0x86: {  	v61 =	vld [tilespmem:s18+$0x3C00]  }
0x87: {  	v4 =	vsub.f32 $1.500000000e+00, v4;
	_ =	sdelay $0x1  }
0x88: {  	v4 =	vmul.f32 v4, v5;
	_ =	sdelay $0x1  }
0x89: {  	v4 =	vmul.f32 v4, v61  }
0x8a: {  	v3 =	vxor.u32 $0x80000000, v3  }
0x8b: {  	(xrf1) =	vsort.ascd.msk.u32 $0xffff, v3, v4;
	_ =	sdelay $0xd  }
0x8c: {  	v3, v4, _ =	vpop (xrf1)  }
0x8d: {  	(xrf2) =	vadd.scan.msk.f32 $0xffff, v4;
	_ =	sdelay $0x7  }
0x8e: {  	v5 =	vxor.u32 $0x80000000, v3  }
0x8f: {  	v62 =	vperm.xlane v5, v0  }
0x90: {  	v7, _, _ =	vpop (xrf2)  }
0x91: {  	vm2 =	vne.s32 v5, v62;
	v4 =	vsub.f32 v7, v4  }
0x92: {  	vm2 =	vmor vm2, vm0  }
0x93: {  	v4 =	vnsel vm2, $0xFF61B1E6, v4  }
0x94: {  	s25 =	smul.u32 $0x1400, s17;
	v63 =	vperm.xlane v5, v2;
	(xrf0) =	vmax.scan.msk.f32 $0xffff, v4;
	_ =	sdelay $0x1  }
0x95: {  	vm2 =	vne.s32 v5, v63;
	v4 =	vadd.s32 s25, v5  }
0x96: {  	v3 =	vand.u32 $0x7F, v3;
	vm2 =	vmor vm2, vm1;
	v4 =	vand.u32 $0xFFFFFF80, v4  }
0x97: {  	v3 =	vor.u32 v3, v4;
	_ =	sdelay $0x1  }
0x98: {  	s26 =	sadd.s32 s5, s16;
	v4, _, _ =	vpop (xrf0)  }
0x99: {  	s17 =	smul.u32 $0x280, s26;
	v4 =	vsub.f32 v7, v4;
	_ =	sdelay $0x1  }
0x9a: {  	s29 =	sadd.s32 $0x0, s16;
	s28 =	sadd.s32 s4, s17;
	s17 =	simm.s32 $0x0;
	[tilespmem:v3+s12+$0x0] =	vst.idx.add.f32.msk vm2, v4  }
0x9b: {  	[hbm4b:s28+s17] =	stream.linear.scatter [tilespmem:s12], [sflag:$0x1], $0xA000, $0x38;
	[tilespmem:$0x10400] =	vst v63  }
0x9c: {  	s18 =	sshll.u32 s29, $0x6;
	_ =	swait.ge [sflag:s9], $0xA000  }
0x9d: {  	s30 =	sand.u32 $0x30, s17;
	s18 =	sand.u32 $0x3FFFFFC0, s18;
	[sflag:s9] =	ssyncset.done $0x0  }
0x9e: {  	s18 =	sor.u32 s30, s18;
	[sflag:s9] =	ssyncadd.s32 $0xFFFF6000  }
0x9f: {  	v3 =	vld [tilespmem:s18+$0x1400];
	_ =	sdelay $0x1  }
0xa0: {  	s31 =	simm.s32 $0x0  }
0xa1: {  	s18 =	smul.u32 $0x1400, s31;
	_ =	sdelay $0x1  }
0xa2: {  	v3 =	vadd.s32 s18, v3  }
0xa3: {  	s19 =	simm.s32 $0x2;
	s18 =	simm.s32 $0x0  }
.LBB2_7:
0xa4: {  	p0 =	sne.s32 s19, $0x1F;
	s20 =	sadd.s32 s16, s18  }
0xa5: {  	s17 =	sadd.s32 $0x10, s17;
	s20 =	sshll.u32 s20, $0x6  }
0xa6: {  	s21 =	sand.u32 $0x30, s17;
	s20 =	sand.u32 $0x3FFFFFC0, s20  }
0xa7: {  	s20 =	sor.u32 s21, s20;
	[tilespmem:v3+s12+$0x0] =	vst.idx.msk $0xffff, v1  }
0xa8: {  	v3 =	vld [tilespmem:s20+$0x1400];
	_ =	sdelay $0x1  }
.Ltmp2:
0xa9: {  	(pc) =	sbr.rel @p0 .LBB2_7-.Ltmp2, $3  }
0xaa: {  	s18 =	smul.u32 $0x1400, s18;
	_ =	sdelay $0x1  }
0xab: {  	v3 =	vadd.s32 s18, v3  }
0xac: {  	s18 =	sshrl.u32 s19, $0x2;
	s19 =	sadd.s32 $0x1, s19  }
0xad: {  	_ = 	snop  }
0xae: {  	s16 =	sadd.s32 s16, s18  }
0xaf: {  	s17 =	sadd.s32 $0x10, s17;
	s16 =	sshll.u32 s16, $0x6  }
0xb0: {  	s17 =	sand.u32 $0x30, s17;
	s16 =	sand.u32 $0x3FFFFFC0, s16  }
0xb1: {  	[tilespmem:v3+s12+$0x0] =	vst.idx.msk $0xffff, v1;
	s16 =	sor.u32 s17, s16  }
0xb2: {  	v3 =	vld [tilespmem:s16+$0x1400];
	_ =	sdelay $0x2  }
0xb3: {  	s31 =	smul.u32 $0x1400, s18  }
0xb4: {  	s15 =	sadd.s32 $0x1, s15  }
0xb5: {  	p0 =	sne.s32 s15, $0x14;
	v3 =	vadd.s32 s31, v3  }
.Ltmp3:
0xb6: {  	_ = 	snop;
	(pc) =	sbr.rel @p0 .LBB2_4-.Ltmp3, $2  }
0xb7: {  	_ =	sdelay $0x2  }
0xb8: {  	[tilespmem:v3+s12+$0x0] =	vst.idx.msk $0xffff, v1  }
0xb9: {  	s13 =	sadd.s32 $0x1, s13  }
0xba: {  	p0 =	sne.s32 s13, s8  }
.Ltmp4:
0xbb: {  	_ = 	snop;
	(pc) =	sbr.rel @p0 .LBB2_1-.Ltmp4, $1  }
0xbc: {  	_ =	sdelay $0x3  }
0xbd: {  	_ =	sfence.sel $0x180000  }
0xbe: {  	[bflag:$0x0] =	sbarrier.arrive $0xFFFF  }
0xbf: {  	p0 =	sne.s32 s0, $0x0;
	_ =	strace $0x90000047  }
0xc0: {  	s0 =	sadd.s32 @!p0 $0x100000, s1;
	[bflag:$0x2] =	sbarrier.arrive $0xFFFF  }
0xc1: {  	[sflag:s0] =	ssyncadd.tile.s32 @!p0 $0x1;
	_ =	shalt  }
.Lfunc_end2:
_tile_overlayer_lowered:
.L_overlay_start_2:
0xc2: {  	(tag) =	ssettag $0x2  }
0xc3: {  	s0 =	rddreg [dreg:$0x0];
	s2 =	stileid.u32  }
0xc4: {  	s1 =	rddreg [dreg:$0x1];
	p0 =	sne.s32 s2, $0x0  }
0xc5: {  	s3 =	rddreg [dreg:$0x2];
	[bflag:$0x3] =	sbarrier.arrive $0xFFFF;
	s2 =	simm.s32 @!p0 $0x1C01  }
0xc6: {  	[timem:s3], [sflag:s2] =	dma.local @!p0 [hbm:s0], s1  }
0xc7: {  	s0 =	simm.s32 @!p0 $0x1  }
0xc8: {  	_ =	swait.ge @!p0 [sflag:s0], s1  }
0xc9: {  	s1 =	ssub.s32 @!p0 $0x0, s1;
	[sflag:s0] =	ssyncset.done @!p0 $0x0  }
0xca: {  	[sflag:s0] =	ssyncadd.s32 @!p0 s1  }
0xcb: {  	[bflag:$0x3] =	sbarrier.arrive $0xFFFF  }
0xcc: {  	_ =	shalt  }

</sc_bundles>
